<compile_context>
chip_gen: v7x
topology: tpu7x:2x2x1
jax: 0.10.2.dev20260603
libtpu: 0.0.44.dev20260713+nightly
codegen_flags: <defaults>
</compile_context>

<pallas_src>
import jax
import jax.numpy as jnp
from jax.experimental import pallas as pl
from jax.experimental.pallas import tpu as pltpu

E = 16
U = 1024
V = 1024
Z = 8192

TM = 512
MB = Z // TM
P = MB + E - 1


def _gemm_body(meta_ref, x_ref, w_ref, o_ref):
    p = pl.program_id(0)
    start = meta_ref[2, p]
    end = meta_ref[3, p]
    first = meta_ref[4, p]
    valid = meta_ref[5, p]

    @pl.when(valid == 1)
    def _():
        row = jax.lax.broadcasted_iota(jnp.int32, (TM, 1), 0)
        mask = ((row >= start) & (row < end)).astype(jnp.float32)
        xm = x_ref[...] * mask
        acc = jnp.dot(xm, w_ref[0], preferred_element_type=jnp.float32)

        @pl.when(first == 1)
        def _():
            o_ref[...] = acc

        @pl.when(first == 0)
        def _():
            o_ref[...] += acc


def _pair_metadata(ids):
    ids = ids.astype(jnp.int32)
    erange = jnp.arange(E + 1, dtype=jnp.int32)
    seg = jnp.sum(ids[None, :] < erange[:, None], axis=1).astype(jnp.int32)
    mrange = jnp.arange(MB, dtype=jnp.int32)
    first_tok = mrange * TM
    last_tok = first_tok + (TM - 1)
    lo = (jnp.sum(seg[None, :] <= first_tok[:, None], axis=1) - 1).astype(jnp.int32)
    hi = (jnp.sum(seg[None, :] <= last_tok[:, None], axis=1) - 1).astype(jnp.int32)
    span = hi - lo + 1
    offs = jnp.concatenate(
        [jnp.zeros((1,), jnp.int32), jnp.cumsum(span)]).astype(jnp.int32)
    total = offs[MB]
    p = jnp.arange(P, dtype=jnp.int32)
    q = jnp.minimum(p, total - 1)
    m = (jnp.sum(offs[None, :MB] <= q[:, None], axis=1) - 1).astype(jnp.int32)
    onehot_m = (m[:, None] == mrange[None, :]).astype(jnp.int32)
    lo_m = jnp.sum(onehot_m * lo[None, :], axis=1)
    offs_m = jnp.sum(onehot_m * offs[None, :MB], axis=1)
    e = lo_m + q - offs_m
    onehot_e = (e[:, None] == erange[None, :]).astype(jnp.int32)
    seg_e = jnp.sum(onehot_e * seg[None, :], axis=1)
    onehot_e1 = ((e + 1)[:, None] == erange[None, :]).astype(jnp.int32)
    seg_e1 = jnp.sum(onehot_e1 * seg[None, :], axis=1)
    start = jnp.clip(seg_e - m * TM, 0, TM)
    end = jnp.clip(seg_e1 - m * TM, 0, TM)
    valid = (p < total).astype(jnp.int32)
    firstf = ((p == offs_m) & (p < total)).astype(jnp.int32)
    return jnp.stack([jnp.clip(m, 0, MB - 1), jnp.clip(e, 0, E - 1),
                      start, end, firstf, valid])


@jax.jit
def kernel(weights, x, expert_ids):
    meta = _pair_metadata(expert_ids)
    wr = weights.reshape(E, U, V)
    grid_spec = pltpu.PrefetchScalarGridSpec(
        num_scalar_prefetch=1,
        grid=(P,),
        in_specs=[
            pl.BlockSpec((TM, U), lambda p, meta: (meta[0, p], 0)),
            pl.BlockSpec((1, U, V), lambda p, meta: (meta[1, p], 0, 0)),
        ],
        out_specs=pl.BlockSpec((TM, V), lambda p, meta: (meta[0, p], 0)),
    )
    out = pl.pallas_call(
        _gemm_body,
        grid_spec=grid_spec,
        out_shape=jax.ShapeDtypeStruct((Z, V), jnp.float32),
        compiler_params=pltpu.CompilerParams(
            dimension_semantics=("arbitrary",),
        ),
    )(meta, x, wr)
    return out

# --- scband reference (transcript-rebuilt; emitter-appended) ---
"""Pipeline reference for scband-segmented-polynomial-indexed-linear-85779086836295 (READ-ONLY COPY).

The authoritative reference and input builder live on the scoring server;
editing this copy changes nothing except your own understanding.
"""

import jax, jax.numpy as jnp
import numpy as np

E = 16      # num experts (indexed weight buffer rows, C dim)
U = 1024    # d_in
V = 1024    # d_out
Z = 8192    # tokens (batch*seq)
COEFF = 1.0 # single path coefficient of the segmented polynomial


def setup_inputs(seed: int = 0) -> dict:
    key = jax.random.key(seed)
    k1, k2, k3 = jax.random.split(key, 3)
    # indexed input buffer 0: per-expert flattened weight segments [E, u*v]
    weights = jax.random.normal(k1, (E, U * V), dtype=jnp.float32) * 0.02
    # non-indexed input buffer 1: token activations [Z, u]
    x = jax.random.normal(k2, (Z, U), dtype=jnp.float32)
    # sorted expert assignment per token (module asserts sorted indices,
    # then converts to counts via torch.bincount(v, minlength=E))
    expert_ids = jnp.sort(jax.random.randint(k3, (Z,), 0, E))
    return {"weights": weights, "x": x, "expert_ids": expert_ids}


def reference(weights, x, expert_ids):
    # indexed_linear with subscripts ('uv','u','v'):
    # grouped GEMM over contiguous token segments, one weight segment per expert.
    # Since expert_ids is sorted, concatenating the per-expert segment results in
    # expert order reproduces token order, so row i of the output equals
    # COEFF * x[i] @ Wr[expert_ids[i]]. Compute it with fixed-shape masked GEMMs.
    num_experts = weights.shape[0]
    Wr = weights.reshape(num_experts, U, V)
    out = jnp.zeros((x.shape[0], V), dtype=x.dtype)
    for e in range(num_experts):
        mask = (expert_ids == e)[:, None].astype(x.dtype)
        out = out + COEFF * ((x * mask) @ Wr[e])
    return out

if __name__ == "__main__":
    import jax
    _d = setup_inputs()
    print(jax.jit(kernel)(*tuple(_d.values())))

</pallas_src>

<mosaic_0001>
module attributes {stable_mosaic.version = 14 : i64} {
  func.func @_gemm_body(%arg0: i32, %arg1: memref<6x31xi32, #tpu.memory_space<smem>>, %arg2: memref<512x1024xf32, #tpu.memory_space<vmem>>, %arg3: memref<1x1024x1024xf32, #tpu.memory_space<vmem>>, %arg4: memref<512x1024xf32, #tpu.memory_space<vmem>>) attributes {dimension_semantics = [#tpu.dimension_semantics<arbitrary>], iteration_bounds = array<i64: 31>, scalar_prefetch = 1 : i64, scratch_operands = 0 : i64, tpu.core_type = #tpu.core_type<tc>, window_params = [{transform_indices = @transform_0, window_bounds = array<i64: 512, 1024>}, {transform_indices = @transform_1, window_bounds = array<i64: 1, 1024, 1024>}, {transform_indices = @transform_2, window_bounds = array<i64: 512, 1024>}]} {
    %get3A = arith.constant 2 : index
    %get3A_0 = arith.index_cast %arg0 : i32 to index
    %get3A_1 = memref.load %arg1[%get3A, %get3A_0] : memref<6x31xi32, #tpu.memory_space<smem>>
    %get3A_2 = arith.constant 3 : index
    %get3A_3 = arith.index_cast %arg0 : i32 to index
    %get3A_4 = memref.load %arg1[%get3A_2, %get3A_3] : memref<6x31xi32, #tpu.memory_space<smem>>
    %get3A_5 = arith.constant 4 : index
    %get3A_6 = arith.index_cast %arg0 : i32 to index
    %get3A_7 = memref.load %arg1[%get3A_5, %get3A_6] : memref<6x31xi32, #tpu.memory_space<smem>>
    %get3A_8 = arith.constant 5 : index
    %get3A_9 = arith.index_cast %arg0 : i32 to index
    %get3A_10 = memref.load %arg1[%get3A_8, %get3A_9] : memref<6x31xi32, #tpu.memory_space<smem>>
    %eq3A = arith.constant 1 : i32
    %eq3A_11 = arith.cmpi eq, %get3A_10, %eq3A : i32
    %convert_element_type3A = arith.extui %eq3A_11 : i1 to i32
    %cond3A = arith.constant 0 : i32
    %cond3A_12 = arith.cmpi ne, %convert_element_type3A, %cond3A : i32
    scf.if %cond3A_12 {
      %iota3A = tpu.iota {dimensions = array<i32: 0>} : vector<512x1xi32>
      %ge3A = vector.broadcast %get3A_1 : i32 to vector<512x1xi32>
      %ge3A_13 = arith.cmpi sge, %iota3A, %ge3A : vector<512x1xi32>
      %lt3A = vector.broadcast %get3A_4 : i32 to vector<512x1xi32>
      %lt3A_14 = arith.cmpi slt, %iota3A, %lt3A : vector<512x1xi32>
      %and3A = arith.andi %ge3A_13, %lt3A_14 : vector<512x1xi1>
      %convert_element_type3A_15 = arith.extui %and3A : vector<512x1xi1> to vector<512x1xi32>
      %convert_element_type3A_16 = arith.sitofp %convert_element_type3A_15 : vector<512x1xi32> to vector<512x1xf32>
      %get3A_17 = arith.constant 0 : index
      %get3A_18 = arith.constant 0 : index
      %get3A_19 = vector.load %arg2[%get3A_17, %get3A_18] : memref<512x1024xf32, #tpu.memory_space<vmem>>, vector<512x1024xf32>
      %mul3A = vector.broadcast %convert_element_type3A_16 : vector<512x1xf32> to vector<512x1024xf32>
      %mul3A_20 = arith.mulf %get3A_19, %mul3A : vector<512x1024xf32>
      %get3A_21 = arith.constant 0 : index
      %get3A_22 = arith.constant 0 : index
      %get3A_23 = arith.constant 0 : index
      %get3A_24 = vector.load %arg3[%get3A_21, %get3A_22, %get3A_23] : memref<1x1024x1024xf32, #tpu.memory_space<vmem>>, vector<1x1024x1024xf32>
      %get3A_25 = vector.shape_cast %get3A_24 : vector<1x1024x1024xf32> to vector<1024x1024xf32>
      %dot_general3A = arith.constant dense<0.000000e+00> : vector<512x1024xf32>
      %dot_general3A_26 = tpu.matmul %mul3A_20, %get3A_25, %dot_general3A {dimension_numbers = #tpu.dot_dimension_numbers<[1], [0], [0], [1], [0, 0, 1, 1], [], []>, transpose_lhs_hint = false} : vector<512x1024xf32>, vector<1024x1024xf32>, vector<512x1024xf32> -> vector<512x1024xf32>
      %eq3A_27 = arith.constant 1 : i32
      %eq3A_28 = arith.cmpi eq, %get3A_7, %eq3A_27 : i32
      %convert_element_type3A_29 = arith.extui %eq3A_28 : i1 to i32
      %cond3A_30 = arith.constant 0 : i32
      %cond3A_31 = arith.cmpi ne, %convert_element_type3A_29, %cond3A_30 : i32
      scf.if %cond3A_31 {
        %swap3A = arith.constant 0 : index
        %swap3A_37 = arith.constant 0 : index
        %swap3A_38 = vector.load %arg4[%swap3A, %swap3A_37] : memref<512x1024xf32, #tpu.memory_space<vmem>>, vector<512x1024xf32>
        tpu.vector_store %arg4[%swap3A, %swap3A_37], %dot_general3A_26 {strides = array<i32>} : memref<512x1024xf32, #tpu.memory_space<vmem>>, vector<512x1024xf32>,
      } else {
      }
      %eq3A_32 = arith.constant 0 : i32
      %eq3A_33 = arith.cmpi eq, %get3A_7, %eq3A_32 : i32
      %convert_element_type3A_34 = arith.extui %eq3A_33 : i1 to i32
      %cond3A_35 = arith.constant 0 : i32
      %cond3A_36 = arith.cmpi ne, %convert_element_type3A_34, %cond3A_35 : i32
      scf.if %cond3A_36 {
        %get3A_37 = arith.constant 0 : index
        %get3A_38 = arith.constant 0 : index
        %get3A_39 = vector.load %arg4[%get3A_37, %get3A_38] : memref<512x1024xf32, #tpu.memory_space<vmem>>, vector<512x1024xf32>
        %add3A = arith.addf %get3A_39, %dot_general3A_26 : vector<512x1024xf32>
        %swap3A = arith.constant 0 : index
        %swap3A_40 = arith.constant 0 : index
        %swap3A_41 = vector.load %arg4[%swap3A, %swap3A_40] : memref<512x1024xf32, #tpu.memory_space<vmem>>, vector<512x1024xf32>
        tpu.vector_store %arg4[%swap3A, %swap3A_40], %add3A {strides = array<i32>} : memref<512x1024xf32, #tpu.memory_space<vmem>>, vector<512x1024xf32>,
      } else {
      }
    } else {
    }
    return
  }
  func.func @transform_0(%arg0: i32, %arg1: memref<6x31xi32, #tpu.memory_space<smem>>) -> (i32, i32) {
    %get3A = arith.constant 0 : index
    %get3A_0 = arith.index_cast %arg0 : i32 to index
    %get3A_1 = memref.load %arg1[%get3A, %get3A_0] : memref<6x31xi32, #tpu.memory_space<smem>>
    %c0_i32 = arith.constant 0 : i32
    %c0_i32_2 = arith.constant 0 : i32
    return %get3A_1, %c0_i32 : i32, i32
  }
  func.func @transform_1(%arg0: i32, %arg1: memref<6x31xi32, #tpu.memory_space<smem>>) -> (i32, i32, i32) {
    %get3A = arith.constant 1 : index
    %get3A_0 = arith.index_cast %arg0 : i32 to index
    %get3A_1 = memref.load %arg1[%get3A, %get3A_0] : memref<6x31xi32, #tpu.memory_space<smem>>
    %c0_i32 = arith.constant 0 : i32
    %c0_i32_2 = arith.constant 0 : i32
    %c0_i32_3 = arith.constant 0 : i32
    return %get3A_1, %c0_i32, %c0_i32_2 : i32, i32, i32
  }
  func.func @transform_2(%arg0: i32, %arg1: memref<6x31xi32, #tpu.memory_space<smem>>) -> (i32, i32) {
    %get3A = arith.constant 0 : index
    %get3A_0 = arith.index_cast %arg0 : i32 to index
    %get3A_1 = memref.load %arg1[%get3A, %get3A_0] : memref<6x31xi32, #tpu.memory_space<smem>>
    %c0_i32 = arith.constant 0 : i32
    %c0_i32_2 = arith.constant 0 : i32
    return %get3A_1, %c0_i32 : i32, i32
  }
}

</mosaic_0001>

<sc_bundles>
// kernel: sparse-core-data-format-call.cloned.1.call-start
scs
called_computation_lowered:
.L_overlay_start_0:
0x0: {  	s2 =	sld [smem:$0x3FD9]  }
0x1: {  	s3 =	sld [smem:$0x3FFE];
	_ =	sdelay $0x1  }
0x2: {  	s1 =	srdreg.scid  }
0x3: {  	s0 =	sand.u32 $0x1, s1  }
0x4: {  	s18 =	sshll.u32 s0, $0xA;
	s2 =	sadd.s32 s3, s2  }
0x5: {  	s2 =	sadd.s32 s2, s18  }
0x6: {  	[smem:$0x3FC5] =	sst s2  }
0x7: {  	_ = 	snop  }
0x8: {  	s2 =	sld [smem:$0x3FC9];
	(tm) =	ssettm $0x1  }
0x9: {  	s19 =	sld [smem:$0x3FFB];
	_ =	sdelay $0x3  }
0xa: {  	_ =	strace s19  }
0xb: {  	s3 =	sld [smem:$0x3FFC];
	_ =	sdelay $0x3  }
0xc: {  	_ =	strace s3  }
0xd: {  	s3 =	sld [smem:$0x3FFD];
	_ =	sdelay $0x3  }
0xe: {  	_ =	strace s3  }
0xf: {  	_ =	strace $0x8FFFFFFF  }
0x10: {  	s20 =	sld [smem:$0x3FDB];
	_ =	sdelay $0x1  }
0x11: {  	s4 =	simm.s32 $_scs_section_size  }
0x12: {  	s5 =	simm.s32 $_size__tile_overlayer_lowered;
	s6 =	simm.s32 $_tile_overlayer_lowered  }
0x13: {  	s23 =	simm.s32 $0x1BFF;
	s22 =	sshll.u32 s6, $0x1;
	s3 =	sadd.s32 s4, s20  }
0x14: {  	s7 =	simm.s32 $0x0;
	s21 =	sshll.u32 s5, $0x1;
	s5 =	sadd.s32 s22, s3  }
0x15: {  	[timem:s7], [sflag:s23] =	dma.local [hbm:s5], s21  }
0x16: {  	_ =	swait.ge [sflag:s23], s21  }
0x17: {  	s4 =	ssub.s32 $0x0, s21;
	[sflag:s23] =	ssyncset.done $0x0  }
0x18: {  	[sflag:s23] =	ssyncadd.s32 s4;
	_ =	sdelay $0x1  }
0x19: {  	s24 =	simm.s32 $0x1B8B  }
0x1a: {  	_ =	swait.ge [sflag:s24], $0x1  }
0x1b: {  	[sflag:s24] =	ssyncset.done $0x0  }
0x1c: {  	s26 =	simm.s32 $0x1B8E;
	s25 =	sld [smem:$0x3FFE];
	[sflag:s24] =	ssyncadd.s32 $0xFFFFFFFF  }
0x1d: {  	s27 =	simm.s32 $execute0_lowered;
	[smem:$0x3FD2] =	sst s26  }
0x1e: {  	s5 =	sshll.u32 s27, $0x1;
	_ =	strace $0x80000046;
	[dreg:$0x1] =	wrdreg $0xFFFFFFFF  }
0x1f: {  	s28 =	simm.s32 $_size_execute0_lowered;
	s3 =	sadd.s32 s3, s5;
	[dreg:$0x0] =	wrdreg $0x0  }
0x20: {  	s5 =	sshll.u32 s28, $0x1;
	[dreg:$0x2] =	wrdreg s3  }
0x21: {  	[dreg:$0x3] =	wrdreg s5  }
0x22: {  	[dreg:$0x4] =	wrdreg $0xC0  }
0x23: {  	_ =	task [dreg:s7], $0x5FFFF  }
0x24: {  	[dreg:$0x1] =	wrdreg $0xFFFFFFFF  }
0x25: {  	[dreg:$0x0] =	wrdreg $0x60  }
0x26: {  	[dreg:$0x2] =	wrdreg s2  }
0x27: {  	[dreg:$0x3] =	wrdreg s25  }
0x28: {  	[dreg:$0x4] =	wrdreg $0x9  }
0x29: {  	_ =	task.clear_ibuf [dreg:s7], $0x5FFFF;
	_ =	strace $0x90000046  }
0x2a: {  	s29 =	simm.s32 $0x9;
	_ =	strace $0x80000048  }
0x2b: {  	_ =	swait.ge [sflag:s29], $0x1  }
0x2c: {  	[sflag:s29] =	ssyncadd.s32 $0xFFFFFFFF  }
0x2d: {  	_ =	strace $0x90000048  }
0x2e: {  	_ =	sfence  }
0x2f: {  	s30 =	sld [smem:$0x0];
	_ =	sdelay $0x2  }
0x30: {  	s31 =	sshll.u32 s1, $0xD;
	s1 =	sshrl.u32 s1, $0x2  }
0x31: {  	s3 =	sand.u32 $0x4000, s31;
	s1 =	sadd.s32 s1, s30  }
0x32: {  	s0 =	sor.u32 s3, s0;
	s1 =	sshll.u32 s1, $0x11  }
0x33: {  	s0 =	sor.u32 s1, s0  }
0x34: {  	s0 =	sadd.s32 $0x8F2B, s0  }
0x35: {  	[sflag:s0] =	ssyncadd.remote.s32 $0x1  }
0x36: {  	_ =	sfence.sel $0xFFFF  }
0x37: {  	[dreg:$0x0] =	wrdreg $0xFFFFFFFF;
	(pc) =	sbr.abs _section_cstart, $3  }
0x38: {  	[dreg:$0x1] =	wrdreg $0xFFFFFFFF  }
0x39: {  	_ =	task.clear_ibuf [dreg:s7], $0x2FFFF;
	_ =	strace $0x9FFFFFFF  }
0x3a: {  	(tm) =	ssettm $0x7FFFFFFF  }
0x3b: {  	_ =	shalt  }
tec
execute0_lowered:
.L_overlay_start_1:
0x0: {  	(tag) =	ssettag $0x1  }
0x1: {  	s2 =	stileid.u32;
	s0 =	srdreg.scid  }
0x2: {  	s3 =	rddreg [dreg:$0x0];
	s7 =	simm.s32 $0x1;
	s31 =	simm.s32 $0x2  }
0x3: {  	s16 =	simm.s32 $0x0;
	s1 =	sshll.u32 s2, $0x2;
	s0 =	sshll.u32 s0, $0x6  }
0x4: {  	s9 =	simm.s32 $0x100000;
	s10 =	simm.s32 $0x0;
	s0 =	sor.u32 s1, s0  }
0x5: {  	s17 =	simm.s32 $0x0;
	s19 =	simm.s32 $0x0;
	s1 =	sand.u32 $0x78, s0  }
0x6: {  	s18 =	simm.s32 $0x0;
	s2 =	sand.u32 $0x1, s2;
	s0 =	ssub.s32 $0x400, s1  }
0x7: {  	s11 =	simm.s32 $0x0;
	s4 =	ssub.s32 $0x2, s2;
	s5 =	sand.u32 $0x78, s0  }
0x8: {  	s12 =	simm.s32 $0x0;
	s6 =	sshrl.u32 s4, $0x1;
	p0 =	sne.s32 s5, $0x0  }
0x9: {  	s4 =	sand.u32 $0x1, s4;
	s0 =	sshrl.u32 s0, $0x7;
	s7 =	simm.s32 @!p0 $0x0  }
.Ltmp0:
0xa: {  	s4 =	sadd.s32 s4, s6;
	s0 =	sadd.s32 s7, s0;
	(pc) =	sbr.rel .LBB1_1-.Ltmp0, $4  }
0xb: {  	s15 =	simm.s32 $0x0;
	s25 =	simm.s32 $0x0;
	s0 =	smul.u32 s0, s4  }
0xc: {  	s6 =	simm.s32 $0x1;
	s5 =	rddreg [dreg:$0x1];
	_ =	strace $0x80000047  }
0xd: {  	s14 =	smov.u32 s2;
	[sflag:s6] =	ssyncpa.u1 $0x0;
	s7 =	sshll.u32 s0, $0x2  }
0xe: {  	s13 =	smov.u32 s1;
	[sflag:s31] =	ssyncpa.u1 $0x0;
	s8 =	sor.u32 $0x1, s7  }
.LBB1_7:
0xf: {  	s0 =	sadd.s32 $0x100, s11  }
0x10: {  	s4 =	sadd.s32 $0x8, s12;
	s20 =	smov.u32 s12;
	p1 =	sgt.s32 s0, $0x3FF  }
0x11: {  	s20 =	smov.u32 @p1 s4  }
0x12: {  	s21 =	smov.u32 s13;
	s4 =	sadd.s32 $0x80, s13;
	p2 =	sgt.s32 s20, $0x7  }
0x13: {  	s21 =	smov.u32 @p2 s4  }
0x14: {  	s22 =	smov.u32 s14;
	s4 =	sadd.s32 $0x2, s14;
	p3 =	sgt.s32 s21, $0x3FF  }
0x15: {  	p0 =	slt.u32 s15, $0x2;
	s22 =	smov.u32 @p3 s4  }
0x16: {  	s16 =	smov.u32 s11;
	s0 =	simm.s32 @p1 $0x0;
	p1 =	sgt.s32 s22, $0x1  }
0x17: {  	s17 =	smov.u32 s12;
	s22 =	smov.u32 @p1 s2;
	p1 =	sne.s32 s15, s8  }
.Ltmp1:
0x18: {  	s19 =	smov.u32 s13;
	s18 =	smov.u32 s14;
	(pc) =	sbr.rel @!p1 .LBB1_8-.Ltmp1, $4  }
0x19: {  	s10 =	sadd.s32 $0x4000, s10;
	s11 =	smov.u32 s0;
	s4 =	simm.s32 @!p0 $0x2  }
0x1a: {  	s20 =	simm.s32 @p2 $0x0;
	s21 =	smov.u32 @p3 s1;
	_ =	swait.ge @!p0 [sflag:s4], $0x4000  }
0x1b: {  	s12 =	smov.u32 s20;
	s13 =	smov.u32 s21;
	[sflag:s4] =	ssyncset.done @!p0 $0x0  }
0x1c: {  	s15 =	sadd.s32 $0x1, s15;
	[sflag:s4] =	ssyncadd.s32 @!p0 $0xFFFFC000;
	s14 =	smov.u32 s22  }
.LBB1_1:
0x1d: {  	p0 =	sge.u32 s15, s7  }
0x1e: {  	s31 =	sadd.s32 $0xFFFFFFFF, s15;
	s0 =	sxor.u32 @!p0 $0xFFFFFFFF, s15  }
0x1f: {  	s4 =	sshll.u32 @!p0 s12, $0x7;
	s20 =	sand.u32 @!p0 $0x78, s11;
	s21 =	sshll.u32 @!p0 s14, $0x14  }
0x20: {  	s22 =	sand.u32 @!p0 $0x380, s11;
	s0 =	sshll.u32 @!p0 s0, $0xE;
	s4 =	sand.u32 @!p0 $0x380, s4  }
0x21: {  	s21 =	sadd.s32 @!p0 s3, s21;
	s4 =	sor.u32 @!p0 s20, s4;
	s20 =	sshll.u32 @!p0 s13, $0xA  }
0x22: {  	s0 =	sand.u32 @!p0 $0x4000, s0;
	s20 =	sadd.s32 @!p0 s20, s21;
	s21 =	sand.u32 @!p0 $0x7, s11  }
0x23: {  	s4 =	sshrl.u32 @!p0 s4, $0x3;
	s20 =	sadd.s32 @!p0 s22, s20;
	s21 =	sshll.u32 @!p0 s21, $0x12  }
0x24: {  	s4 =	sadd.s32 @!p0 s4, s20;
	s20 =	sor.u32 @!p0 $0x800, s21;
	s21 =	simm.s32 @!p0 $0x2000  }
0x25: {  	[tilespmem:s0], [sflag:$0x1] =	stream.strided.gather @!p0 [hbm4b:s4+s20], $0x4000, s21, s20, $0x38;
	[tilespmem:$0x10000] =	vst v63  }
0x26: {  	p0 =	sge.u32 s31, s7  }
.Ltmp2:
0x27: {  	_ = 	snop;
	(pc) =	sbr.rel @p0 .LBB1_7-.Ltmp2, $1  }
0x28: {  	_ =	sdelay $0x3  }
0x29: {  	s0 =	sshll.u32 s10, $0x2;
	_ =	swait.ge [sflag:s6], $0x4000;
	s4 =	sshll.u32 s15, $0xE  }
0x2a: {  	p0 =	por $0x0, $0x0;
	s26 =	simm.s32 $0x0;
	s27 =	simm.s32 $0x0  }
0x2b: {  	s0 =	sand.u32 $0x10000, s0;
	[sflag:s6] =	ssyncset.done $0x0;
	s23 =	sand.u32 $0x4000, s4  }
0x2c: {  	s0 =	sshrl.u32 s0, $0x2;
	[sflag:s6] =	ssyncadd.s32 $0xFFFFC000;
	s20 =	sor.u32 $0x8000, s23  }
0x2d: {  	s21 =	sor.u32 $0x40, s0;
	s22 =	sor.u32 $0x8410, s0;
	s24 =	sadd.s32 $0x8400, s0  }
.LBB1_3:
0x2e: {  	v1 =	vld [tilespmem:s21+$0xFFFFFFD0]  }
0x2f: {  	v2 =	vld [tilespmem:s21+$0x430]  }
0x30: {  	s0 =	sshll.u32 s27, $0xB;
	v4 =	vld [tilespmem:s21+$0xFFFFFFE0]  }
0x31: {  	v7 =	vld [tilespmem:s21+$0xFFFFFFF0];
	v0 =	vmov s0  }
0x32: {  	v8 =	vld [tilespmem:s21+$0x0]  }
0x33: {  	v9 =	vld [tilespmem:s21+$0x10];
	s0 =	sand.u32 $0x300, s25  }
0x34: {  	s4 =	sand.u32 $0x80, s25;
	v10 =	vld [tilespmem:s21+$0x20];
	s0 =	sadd.s32 s0, s23  }
0x35: {  	v11 =	vld [tilespmem:s21+$0x30];
	s0 =	sadd.s32 s4, s0;
	s4 =	simm.s32 $0x1;
	[tilespmem:s22+$0x60] =	vst v2  }
0x36: {  	s4 =	simm.s32 @!p0 $0x0;
	[tilespmem:s22+$0xFFFFFC00] =	vst v1;
	v3 =	vld.idx.msk [tilespmem:v0+s0+$0x400 ss:$0x1], $0xffff;
	s0 =	sshll.u32 s26, $0x2  }
0x37: {  	v6 =	vld [tilespmem:s21+$0x3D0];
	s4 =	sshll.u32 s4, $0x9;
	[tilespmem:s22+$0xFFFFFC10] =	vst v4;
	s0 =	sand.u32 $0xFFFFFC00, s0  }
0x38: {  	v5 =	vld [tilespmem:s21+$0x3E0];
	[tilespmem:s22+$0xFFFFFC20] =	vst v7;
	s0 =	sor.u32 s4, s0  }
0x39: {  	[tilespmem:s22+$0xFFFFFC30] =	vst v8;
	v4 =	vld [tilespmem:s21+$0x400];
	s0 =	sshrl.u32 s0, $0x2  }
0x3a: {  	[tilespmem:s22+$0xFFFFFC40] =	vst v9;
	v1 =	vld [tilespmem:s21+$0x410];
	s28 =	sadd.s32 s0, s24  }
0x3b: {  	[tilespmem:s28+$0x0] =	vst v3;
	v3 =	vld [tilespmem:s21+$0x3F0]  }
0x3c: {  	s31 =	simm.s32 $0x100;
	[tilespmem:s22+$0xFFFFFC50] =	vst v10;
	v2 =	vld [tilespmem:s21+$0x420];
	s4 =	simm.s32 $0x80  }
0x3d: {  	s29 =	sadd.s32 $0x80, s21;
	s30 =	smov.u32 s22;
	v7 =	vld [tilespmem:s21+$0xFFFFFFC0];
	[tilespmem:s22+$0xFFFFFC60] =	vst v11;
	s0 =	sand.u32 $0x300, s4  }
.LBB1_4:
0x3e: {  	p1 =	sne.s32 s31, $0x380;
	v8 =	vld [tilespmem:s29+$0xFFFFFFD0];
	s4 =	sand.u32 $0x80, s4;
	s0 =	sadd.s32 s0, s23;
	[tilespmem:s30+$0x0] =	vst v6  }
0x3f: {  	s0 =	sadd.s32 s4, s0;
	v6 =	vld [tilespmem:s29+$0x430];
	[tilespmem:s30+$0x10] =	vst v5;
	s4 =	smov.u32 s31  }
0x40: {  	v5 =	vld.idx.msk [tilespmem:v0+s0+$0x400 ss:$0x1], $0xffff;
	[tilespmem:s30+$0x20] =	vst v3  }
0x41: {  	v3 =	vld [tilespmem:s29+$0xFFFFFFE0];
	[tilespmem:s30+$0x30] =	vst v4  }
0x42: {  	v4 =	vld [tilespmem:s29+$0xFFFFFFF0];
	[tilespmem:s30+$0xFFFFFBF0] =	vst v7  }
0x43: {  	v7 =	vld [tilespmem:s29+$0x0];
	[tilespmem:s30+$0x40] =	vst v1  }
0x44: {  	v1 =	vld [tilespmem:s29+$0x10];
	[tilespmem:s30+$0x50] =	vst v2;
	s30 =	sadd.s32 $0x800, s30  }
0x45: {  	s28 =	sadd.s32 $0x800, s28;
	v2 =	vld [tilespmem:s29+$0x20];
	[tilespmem:s30+$0x60] =	vst v6  }
0x46: {  	v9 =	vld [tilespmem:s29+$0x30];
	[tilespmem:s28+$0x0] =	vst v5  }
0x47: {  	[tilespmem:s30+$0xFFFFFC00] =	vst v8;
	v6 =	vld [tilespmem:s29+$0x3D0]  }
0x48: {  	[tilespmem:s30+$0xFFFFFC10] =	vst v3;
	v5 =	vld [tilespmem:s29+$0x3E0]  }
.Ltmp3:
0x49: {  	[tilespmem:s30+$0xFFFFFC20] =	vst v4;
	v3 =	vld [tilespmem:s29+$0x3F0];
	(pc) =	sbr.rel @p1 .LBB1_4-.Ltmp3, $4  }
0x4a: {  	[tilespmem:s30+$0xFFFFFC30] =	vst v7;
	v4 =	vld [tilespmem:s29+$0x400]  }
0x4b: {  	[tilespmem:s30+$0xFFFFFC40] =	vst v1;
	v1 =	vld [tilespmem:s29+$0x410]  }
0x4c: {  	[tilespmem:s30+$0xFFFFFC50] =	vst v2;
	v2 =	vld [tilespmem:s29+$0x420]  }
0x4d: {  	s31 =	sadd.s32 $0x80, s31;
	s0 =	sand.u32 $0x300, s4;
	v7 =	vld [tilespmem:s29+$0xFFFFFFC0];
	[tilespmem:s30+$0xFFFFFC60] =	vst v9;
	s29 =	sadd.s32 $0x80, s29  }
0x4e: {  	[tilespmem:s30+$0x0] =	vst v6  }
0x4f: {  	[tilespmem:s30+$0x10] =	vst v5  }
0x50: {  	v49 =	vld [tilespmem:s29+$0x430];
	[tilespmem:s30+$0x20] =	vst v3  }
0x51: {  	v50 =	vld [tilespmem:s29+$0xFFFFFFD0];
	[tilespmem:s30+$0x30] =	vst v4  }
0x52: {  	v51 =	vld [tilespmem:s29+$0xFFFFFFE0];
	[tilespmem:s30+$0x40] =	vst v1  }
0x53: {  	v52 =	vld [tilespmem:s29+$0xFFFFFFF0];
	[tilespmem:s30+$0x50] =	vst v2  }
0x54: {  	v53 =	vld [tilespmem:s29+$0x0];
	[tilespmem:s30+$0xFFFFFBF0] =	vst v7;
	s30 =	sadd.s32 $0x800, s30  }
0x55: {  	v54 =	vld [tilespmem:s29+$0x10];
	[tilespmem:s30+$0x60] =	vst v49  }
0x56: {  	v55 =	vld [tilespmem:s29+$0x20];
	[tilespmem:s30+$0xFFFFFC00] =	vst v50  }
0x57: {  	v56 =	vld [tilespmem:s29+$0x30];
	[tilespmem:s30+$0xFFFFFC10] =	vst v51  }
0x58: {  	v57 =	vld [tilespmem:s29+$0x3D0];
	[tilespmem:s30+$0xFFFFFC20] =	vst v52  }
0x59: {  	v58 =	vld [tilespmem:s29+$0x3E0];
	[tilespmem:s30+$0xFFFFFC30] =	vst v53  }
0x5a: {  	v59 =	vld [tilespmem:s29+$0x3F0];
	[tilespmem:s30+$0xFFFFFC40] =	vst v54  }
0x5b: {  	v60 =	vld [tilespmem:s29+$0x400];
	[tilespmem:s30+$0xFFFFFC50] =	vst v55  }
0x5c: {  	v61 =	vld [tilespmem:s29+$0xFFFFFFC0];
	[tilespmem:s30+$0xFFFFFC60] =	vst v56  }
0x5d: {  	s4 =	sand.u32 $0x80, s4;
	s0 =	sadd.s32 s0, s23;
	v62 =	vld [tilespmem:s29+$0x410];
	[tilespmem:s30+$0x0] =	vst v57  }
0x5e: {  	v63 =	vld [tilespmem:s29+$0x420];
	s27 =	sadd.s32 $0x1, s27;
	s0 =	sadd.s32 s4, s0;
	[tilespmem:s30+$0x10] =	vst v58  }
0x5f: {  	p1 =	sne.s32 s27, $0x8;
	v0 =	vld.idx.msk [tilespmem:v0+s0+$0x400 ss:$0x1], $0xffff;
	[tilespmem:s30+$0x20] =	vst v59  }
.Ltmp4:
0x60: {  	[tilespmem:s30+$0x30] =	vst v60;
	(pc) =	sbr.rel @p1 .LBB1_3-.Ltmp4, $4  }
0x61: {  	[tilespmem:s30+$0xFFFFFBF0] =	vst v61  }
0x62: {  	[tilespmem:s30+$0x40] =	vst v62  }
0x63: {  	s31 =	sadd.s32 $0x800, s28;
	s21 =	sadd.s32 $0x800, s21;
	[tilespmem:s30+$0x50] =	vst v63  }
0x64: {  	s26 =	sadd.s32 $0x80, s26;
	p0 =	por !p0, !p0;
	s22 =	sadd.s32 $0x80, s22;
	[tilespmem:s31+$0x0] =	vst v0  }
0x65: {  	s0 =	sshll.u32 s19, $0x7  }
0x66: {  	s4 =	sand.u32 $0x78, s16;
	s18 =	sshll.u32 s18, $0x14;
	s17 =	sshll.u32 s17, $0x11  }
0x67: {  	s30 =	sand.u32 $0x7, s16;
	s19 =	sand.u32 $0x380, s0;
	s0 =	sand.u32 $0x1FC00, s0  }
.Ltmp5:
0x68: {  	s18 =	sadd.s32 s5, s18;
	s4 =	sor.u32 s19, s4;
	(pc) =	sbr.rel .LBB1_7-.Ltmp5, $4  }
0x69: {  	s0 =	sadd.s32 s16, s0;
	s17 =	sadd.s32 s17, s18;
	s4 =	sshrl.u32 s4, $0x3  }
0x6a: {  	s16 =	sshll.u32 s30, $0x12;
	s0 =	sand.u32 $0x1FF80, s0;
	s4 =	sadd.s32 s4, s17  }
0x6b: {  	s31 =	sor.u32 $0x800, s16;
	s0 =	sadd.s32 s0, s4  }
0x6c: {  	[hbm4b:s0+s31] =	stream.strided.scatter [tilespmem:s20], [sflag:$0x2], $0x4000, s9, s31, $0x38;
	[tilespmem:$0x10000] =	vst v63  }
.LBB1_8:
0x6d: {  	_ =	sfence.sel $0x180000  }
0x6e: {  	s0 =	simm.s32 $0x1;
	[bflag:$0x0] =	sbarrier.arrive $0xFFFF  }
0x6f: {  	s30 =	simm.s32 $0x2;
	[sflag:s0] =	ssyncpa.u1 $0x1  }
0x70: {  	[sflag:s30] =	ssyncpa.u1 $0x1  }
0x71: {  	_ =	strace $0x90000047  }
0x72: {  	s31 =	stileid.u32;
	[bflag:$0x2] =	sbarrier.arrive $0xFFFF  }
0x73: {  	p0 =	sne.s32 s31, $0x0;
	s0 =	rddreg [dreg:$0x2]  }
0x74: {  	s0 =	sadd.s32 @!p0 $0x100000, s0  }
0x75: {  	[sflag:s0] =	ssyncadd.tile.s32 @!p0 $0x1;
	_ =	shalt  }
.Lfunc_end1:
_tile_overlayer_lowered:
.L_overlay_start_2:
0x76: {  	(tag) =	ssettag $0x2  }
0x77: {  	s0 =	rddreg [dreg:$0x0];
	s2 =	stileid.u32  }
0x78: {  	s1 =	rddreg [dreg:$0x1];
	p0 =	sne.s32 s2, $0x0  }
0x79: {  	s3 =	rddreg [dreg:$0x2];
	[bflag:$0x3] =	sbarrier.arrive $0xFFFF;
	s2 =	simm.s32 @!p0 $0x1C01  }
0x7a: {  	[timem:s3], [sflag:s2] =	dma.local @!p0 [hbm:s0], s1  }
0x7b: {  	s0 =	simm.s32 @!p0 $0x1  }
0x7c: {  	_ =	swait.ge @!p0 [sflag:s0], s1  }
0x7d: {  	s1 =	ssub.s32 @!p0 $0x0, s1;
	[sflag:s0] =	ssyncset.done @!p0 $0x0  }
0x7e: {  	[sflag:s0] =	ssyncadd.s32 @!p0 s1  }
0x7f: {  	[bflag:$0x3] =	sbarrier.arrive $0xFFFF  }
0x80: {  	_ =	shalt  }

</sc_bundles>
